<compile_context>
chip_gen: v7x
topology: tpu7x:2x2x1
jax: 0.10.2.dev20260603
libtpu: 0.0.44.dev20260713+nightly
codegen_flags: <defaults>
</compile_context>

<pallas_src>
import functools

import jax
import jax.numpy as jnp
from jax import lax
from jax.experimental import pallas as pl
from jax.experimental.pallas import tpu as pltpu
from jax.experimental.pallas import tpu_sc as plsc

N = 10000
F = 128
TM = 400

_NC, _NS = 2, 16
_NW = _NC * _NS
_PER_W = 400
_NACT = N // _PER_W
_CHUNKS = (128, 128, 128, 16)


def _sc_gather(table, idx):
    fw = table.shape[1]
    mesh = plsc.VectorSubcoreMesh(core_axis_name="c", subcore_axis_name="s")

    @functools.partial(
        pl.kernel,
        mesh=mesh,
        out_type=jax.ShapeDtypeStruct((N, fw), jnp.float32),
        scratch_types=[
            pltpu.VMEM((_PER_W,), jnp.int32),
            pltpu.VMEM((_PER_W, fw), jnp.float32),
            pltpu.SemaphoreType.DMA,
        ],
    )
    def k(table_hbm, idx_hbm, out_hbm, idx_v, rows_v, sem):
        wid = lax.axis_index("s") * _NC + lax.axis_index("c")

        @pl.when(wid < _NACT)
        def _():
            base = wid * _PER_W
            pltpu.sync_copy(idx_hbm.at[pl.ds(base, _PER_W)], idx_v)
            off = 0
            copies = []
            for c in _CHUNKS:
                copies.append(pltpu.async_copy(
                    table_hbm.at[idx_v.at[pl.ds(off, c)]],
                    rows_v.at[pl.ds(off, c)],
                    sem,
                ))
                off += c
            for cp in copies:
                cp.wait()
            pltpu.sync_copy(rows_v, out_hbm.at[pl.ds(base, _PER_W)])

    return k(table, idx)


def _xw_body(x_ref, w_ref, xwf_ref):
    xwf_ref[...] = jnp.dot(x_ref[...], w_ref[...],
                           preferred_element_type=jnp.float32)


def _matmul_xw(X, W):
    return pl.pallas_call(
        _xw_body,
        grid=(5,),
        in_specs=[
            pl.BlockSpec((2000, F), lambda i: (i, 0)),
            pl.BlockSpec((F, F), lambda i: (0, 0)),
        ],
        out_specs=pl.BlockSpec((2000, F), lambda i: (i, 0)),
        out_shape=jax.ShapeDtypeStruct((N, F), jnp.float32),
    )(X, W)


def _main_body(ap_ref, a_ref, xw_ref, xwp_ref, h_ref, hn_ref, cs_ref):
    a = a_ref[...]
    c1 = jnp.dot(a, xw_ref[...], preferred_element_type=jnp.float32)
    c2 = jnp.dot(a, xwp_ref[...], preferred_element_type=jnp.float32)
    al = ap_ref[0]
    h1 = jnp.where(c1 >= 0, c1, al * c1)
    h2 = jnp.where(c2 >= 0, c2, al * c2)
    h_ref[...] = h1.astype(jnp.bfloat16)
    hn_ref[...] = h2.astype(jnp.bfloat16)
    cs_ref[...] = jnp.sum(h1, axis=0)[None, None, :]


def _main(A, XW, XWp, a_prelu):
    return pl.pallas_call(
        _main_body,
        grid=(N // TM,),
        in_specs=[
            pl.BlockSpec(memory_space=pltpu.SMEM),
            pl.BlockSpec((TM, N), lambda i: (i, 0)),
            pl.BlockSpec((N, F), lambda i: (0, 0)),
            pl.BlockSpec((N, F), lambda i: (0, 0)),
        ],
        out_specs=[
            pl.BlockSpec((TM, F), lambda i: (i, 0)),
            pl.BlockSpec((TM, F), lambda i: (i, 0)),
            pl.BlockSpec((1, 1, F), lambda i: (i, 0, 0)),
        ],
        out_shape=[
            jax.ShapeDtypeStruct((N, F), jnp.bfloat16),
            jax.ShapeDtypeStruct((N, F), jnp.bfloat16),
            jax.ShapeDtypeStruct((N // TM, 1, F), jnp.float32),
        ],
        compiler_params=pltpu.CompilerParams(
            dimension_semantics=("parallel",)),
    )(a_prelu.reshape(1), A, XW, XWp)


def _readout_body(h_ref, hn_ref, cs_ref, wfc_ref, o_ref, lab_ref):
    lab_ref[...] = jnp.where(
        jax.lax.broadcasted_iota(jnp.int32, (1, 2 * N), 1) < N, 1.0, 0.0
    ).astype(jnp.float32)
    cs = jnp.sum(cs_ref[...], axis=(0, 1))[None, :]
    s = jax.nn.sigmoid(cs * (1.0 / N))
    x = jnp.sum(wfc_ref[...] * s, axis=1)[None, :]
    xb = x.astype(jnp.bfloat16)
    o_ref[:, pl.ds(0, N)] = jax.lax.dot_general(
        xb, h_ref[...], (((1,), (1,)), ((), ())),
        preferred_element_type=jnp.float32)
    o_ref[:, pl.ds(N, N)] = jax.lax.dot_general(
        xb, hn_ref[...], (((1,), (1,)), ((), ())),
        preferred_element_type=jnp.float32)


def _readout(H, Hn, cs, Wfc):
    return pl.pallas_call(
        _readout_body,
        grid=(1,),
        in_specs=[
            pl.BlockSpec((N, F), lambda i: (0, 0)),
            pl.BlockSpec((N, F), lambda i: (0, 0)),
            pl.BlockSpec((N // TM, 1, F), lambda i: (0, 0, 0)),
            pl.BlockSpec((F, F), lambda i: (0, 0)),
        ],
        out_specs=[
            pl.BlockSpec((1, 2 * N), lambda i: (0, 0)),
            pl.BlockSpec((1, 2 * N), lambda i: (0, 0)),
        ],
        out_shape=[
            jax.ShapeDtypeStruct((1, 2 * N), jnp.float32),
            jax.ShapeDtypeStruct((1, 2 * N), jnp.float32),
        ],
    )(H, Hn, cs, Wfc)


def kernel(X, A, W, a_prelu, Wfc, perm):
    XWf = _matmul_xw(X, W)
    XWp = _sc_gather(XWf, perm)
    H, Hn, cs = _main(A, XWf, XWp, a_prelu)
    out, labels = _readout(H, Hn, cs, Wfc)
    return (out.reshape(2 * N), labels.reshape(2 * N),
            jnp.array(0.0, dtype=jnp.float32))

# --- scband reference (transcript-rebuilt; emitter-appended) ---
"""Pipeline reference for scband-dgi-25151328485549 (READ-ONLY COPY).

The authoritative reference and input builder live on the scoring server;
editing this copy changes nothing except your own understanding.
"""

import jax, jax.numpy as jnp
import numpy as np

N = 10000
F_IN = 128
F_HID = 128


def setup_inputs(seed: int = 0) -> dict:
    key = jax.random.key(seed)
    k1, k2, k3, k4, k5 = jax.random.split(key, 5)
    X = jax.random.normal(k1, (N, F_IN), dtype=jnp.float32)
    A = jax.random.uniform(k2, (N, N), dtype=jnp.float32)
    # GraphConvolution weight (glorot-style init)
    W = jax.random.normal(k3, (F_IN, F_HID), dtype=jnp.float32) * (1.0 / np.sqrt(F_IN))
    # PReLU slope parameter (torch default init 0.25)
    a_prelu = jnp.array(0.25, dtype=jnp.float32)
    # fc: Linear(num_hid, num_hid, bias=False)
    Wfc = jax.random.normal(k4, (F_HID, F_HID), dtype=jnp.float32) * (1.0 / np.sqrt(F_HID))
    # node_shuffle corruption permutation (torch.randperm), fixed for determinism
    perm = jax.random.permutation(k5, N).astype(jnp.int32)
    return {"X": X, "A": A, "W": W, "a_prelu": a_prelu, "Wfc": Wfc, "perm": perm}


def _prelu(x, a):
    return jnp.where(x >= 0, x, a * x)


def reference(X, A, W, a_prelu, Wfc, perm):
    # dropout p=0.0 -> identity
    # GraphConvolution: HHH = A @ (X @ W); returns (HHH, weight)
    HHH = A @ (X @ W)
    H = _prelu(HHH, a_prelu)
    # training path, Qloss=False, getloss=False -> smooth_loss = 0
    smooth_loss = jnp.array(0.0, dtype=jnp.float32)
    # corruption: node_shuffle
    neg_X = X[perm]
    neg_HHH = A @ (neg_X @ W)
    neg_H = _prelu(neg_HHH, a_prelu)
    # readout: average -> sigmoid(mean over nodes)
    s = jax.nn.sigmoid(H.mean(axis=0))
    # fc (no bias)
    x = s @ Wfc.T
    # torch.mv(cat((H, neg_H)), x)
    out = jnp.concatenate([H, neg_H], axis=0) @ x
    labels = jnp.concatenate([jnp.ones((X.shape[0],), dtype=jnp.float32), jnp.zeros((X.shape[0],), dtype=jnp.float32)])
    return (out, labels, smooth_loss)

if __name__ == "__main__":
    import jax
    _d = setup_inputs()
    print(jax.jit(kernel)(*tuple(_d.values())))

</pallas_src>

<mosaic_0001>
#map = affine_map<(d0, d1) -> (0, 0)>
#map1 = affine_map<(d0, d1) -> (0)>
module attributes {stable_mosaic.version = 14 : i64} {
  func.func @k(%arg0: i32, %arg1: i32, %arg2: memref<10000x128xf32, #tpu.memory_space<hbm>>, %arg3: memref<10000xi32, #tpu.memory_space<hbm>>, %arg4: memref<10000x128xf32, #tpu.memory_space<hbm>>, %arg5: memref<400xi32, #tpu.memory_space<vmem>>, %arg6: memref<400x128xf32, #tpu.memory_space<vmem>>, %arg7: memref<!tpu.dma_semaphore, #tpu.memory_space<semaphore_mem>>) attributes {dimension_semantics = [#tpu.dimension_semantics<core_parallel>, #tpu.dimension_semantics<subcore_parallel>], iteration_bounds = array<i64: 2, 16>, scalar_prefetch = 0 : i64, scratch_operands = 3 : i64, tpu.core_type = #tpu.core_type<sc_vector_subcore>, window_params = [{transform_indices = #map}, {transform_indices = #map1}, {transform_indices = #map}]} {
    %mul3A = arith.constant 2 : i32
    %mul3A_0 = arith.muli %arg1, %mul3A : i32
    %add3A = arith.addi %mul3A_0, %arg0 : i32
    %lt3A = arith.constant 25 : i32
    %lt3A_1 = arith.cmpi slt, %add3A, %lt3A : i32
    %convert_element_type3A = arith.extui %lt3A_1 : i1 to i32
    %cond3A = arith.constant 0 : i32
    %cond3A_2 = arith.cmpi ne, %convert_element_type3A, %cond3A : i32
    scf.if %cond3A_2 {
      %mul3A_3 = arith.constant 400 : i32
      %mul3A_4 = arith.muli %add3A, %mul3A_3 : i32
      "tpu.region"() ({
        %run_scoped3A = tpu.sem_alloc : memref<!tpu.dma_semaphore, #tpu.memory_space<semaphore_mem>>
        %dma_start3A_67 = tpu.memref_slice %arg3[%mul3A_4] : memref<10000xi32, #tpu.memory_space<hbm>> -> memref<400xi32, #tpu.memory_space<hbm>>
        %dma_start3A_68 = tpu.memref_slice %arg3[%mul3A_4] : memref<10000xi32, #tpu.memory_space<hbm>> -> memref<400xi32, #tpu.memory_space<hbm>>
        tpu.enqueue_dma source(%dma_start3A_68 : memref<400xi32, #tpu.memory_space<hbm>>) target(%arg5 : memref<400xi32, #tpu.memory_space<vmem>>) target_semaphore(%run_scoped3A : memref<!tpu.dma_semaphore, #tpu.memory_space<semaphore_mem>>)
        %dma_wait3A_69 = tpu.memref_slice %arg3[%mul3A_4] : memref<10000xi32, #tpu.memory_space<hbm>> -> memref<400xi32, #tpu.memory_space<hbm>>
        %dma_wait3A_70 = tpu.memref_slice %arg3[%mul3A_4] : memref<10000xi32, #tpu.memory_space<hbm>> -> memref<400xi32, #tpu.memory_space<hbm>>
        tpu.wait_dma2 semaphore(%run_scoped3A : memref<!tpu.dma_semaphore, #tpu.memory_space<semaphore_mem>>) src(%dma_wait3A_70 : memref<400xi32, #tpu.memory_space<hbm>>) dst(%arg5 : memref<400xi32, #tpu.memory_space<vmem>>)
        tpu.yield
      }) : () -> ()
      %dma_start3A = arith.constant 0 : i32
      %dma_start3A_5 = arith.constant 0 : i32
      %dma_start3A_6 = tpu.memref_slice %arg6[%dma_start3A, %dma_start3A_5] : memref<400x128xf32, #tpu.memory_space<vmem>> -> memref<128x128xf32, #tpu.memory_space<vmem>>
      %dma_start3A_7 = arith.constant 0 : i32
      %dma_start3A_8 = tpu.memref_slice %arg5[%dma_start3A_7] : memref<400xi32, #tpu.memory_space<vmem>> -> memref<128xi32, #tpu.memory_space<vmem>>
      %dma_start3A_9 = arith.constant 0 : i32
      %dma_start3A_10 = arith.constant 0 : i32
      %dma_start3A_11 = tpu.memref_slice %arg2[%dma_start3A_9, %dma_start3A_10] : memref<10000x128xf32, #tpu.memory_space<hbm>> -> memref<10000x128xf32, #tpu.memory_space<hbm>>
      tpu.enqueue_indirect_dma source(%dma_start3A_11 : memref<10000x128xf32, #tpu.memory_space<hbm>>) target(%dma_start3A_6 : memref<128x128xf32, #tpu.memory_space<vmem>>) offsets(%dma_start3A_8 : memref<128xi32, #tpu.memory_space<vmem>>) semaphore(%arg7 : memref<!tpu.dma_semaphore, #tpu.memory_space<semaphore_mem>>)
      %dma_start3A_12 = arith.constant 128 : i32
      %dma_start3A_13 = arith.constant 0 : i32
      %dma_start3A_14 = tpu.memref_slice %arg6[%dma_start3A_12, %dma_start3A_13] : memref<400x128xf32, #tpu.memory_space<vmem>> -> memref<128x128xf32, #tpu.memory_space<vmem>>
      %dma_start3A_15 = arith.constant 128 : i32
      %dma_start3A_16 = tpu.memref_slice %arg5[%dma_start3A_15] : memref<400xi32, #tpu.memory_space<vmem>> -> memref<128xi32, #tpu.memory_space<vmem>>
      %dma_start3A_17 = arith.constant 0 : i32
      %dma_start3A_18 = arith.constant 0 : i32
      %dma_start3A_19 = tpu.memref_slice %arg2[%dma_start3A_17, %dma_start3A_18] : memref<10000x128xf32, #tpu.memory_space<hbm>> -> memref<10000x128xf32, #tpu.memory_space<hbm>>
      tpu.enqueue_indirect_dma source(%dma_start3A_19 : memref<10000x128xf32, #tpu.memory_space<hbm>>) target(%dma_start3A_14 : memref<128x128xf32, #tpu.memory_space<vmem>>) offsets(%dma_start3A_16 : memref<128xi32, #tpu.memory_space<vmem>>) semaphore(%arg7 : memref<!tpu.dma_semaphore, #tpu.memory_space<semaphore_mem>>)
      %dma_start3A_20 = arith.constant 256 : i32
      %dma_start3A_21 = arith.constant 0 : i32
      %dma_start3A_22 = tpu.memref_slice %arg6[%dma_start3A_20, %dma_start3A_21] : memref<400x128xf32, #tpu.memory_space<vmem>> -> memref<128x128xf32, #tpu.memory_space<vmem>>
      %dma_start3A_23 = arith.constant 256 : i32
      %dma_start3A_24 = tpu.memref_slice %arg5[%dma_start3A_23] : memref<400xi32, #tpu.memory_space<vmem>> -> memref<128xi32, #tpu.memory_space<vmem>>
      %dma_start3A_25 = arith.constant 0 : i32
      %dma_start3A_26 = arith.constant 0 : i32
      %dma_start3A_27 = tpu.memref_slice %arg2[%dma_start3A_25, %dma_start3A_26] : memref<10000x128xf32, #tpu.memory_space<hbm>> -> memref<10000x128xf32, #tpu.memory_space<hbm>>
      tpu.enqueue_indirect_dma source(%dma_start3A_27 : memref<10000x128xf32, #tpu.memory_space<hbm>>) target(%dma_start3A_22 : memref<128x128xf32, #tpu.memory_space<vmem>>) offsets(%dma_start3A_24 : memref<128xi32, #tpu.memory_space<vmem>>) semaphore(%arg7 : memref<!tpu.dma_semaphore, #tpu.memory_space<semaphore_mem>>)
      %dma_start3A_28 = arith.constant 384 : i32
      %dma_start3A_29 = arith.constant 0 : i32
      %dma_start3A_30 = tpu.memref_slice %arg6[%dma_start3A_28, %dma_start3A_29] : memref<400x128xf32, #tpu.memory_space<vmem>> -> memref<16x128xf32, #tpu.memory_space<vmem>>
      %dma_start3A_31 = arith.constant 384 : i32
      %dma_start3A_32 = tpu.memref_slice %arg5[%dma_start3A_31] : memref<400xi32, #tpu.memory_space<vmem>> -> memref<16xi32, #tpu.memory_space<vmem>>
      %dma_start3A_33 = arith.constant 0 : i32
      %dma_start3A_34 = arith.constant 0 : i32
      %dma_start3A_35 = tpu.memref_slice %arg2[%dma_start3A_33, %dma_start3A_34] : memref<10000x128xf32, #tpu.memory_space<hbm>> -> memref<10000x128xf32, #tpu.memory_space<hbm>>
      tpu.enqueue_indirect_dma source(%dma_start3A_35 : memref<10000x128xf32, #tpu.memory_space<hbm>>) target(%dma_start3A_30 : memref<16x128xf32, #tpu.memory_space<vmem>>) offsets(%dma_start3A_32 : memref<16xi32, #tpu.memory_space<vmem>>) semaphore(%arg7 : memref<!tpu.dma_semaphore, #tpu.memory_space<semaphore_mem>>)
      %dma_wait3A = arith.constant 0 : i32
      %dma_wait3A_36 = arith.constant 0 : i32
      %dma_wait3A_37 = tpu.memref_slice %arg6[%dma_wait3A, %dma_wait3A_36] : memref<400x128xf32, #tpu.memory_space<vmem>> -> memref<128x128xf32, #tpu.memory_space<vmem>>
      %dma_wait3A_38 = arith.constant 0 : i32
      %dma_wait3A_39 = tpu.memref_slice %arg5[%dma_wait3A_38] : memref<400xi32, #tpu.memory_space<vmem>> -> memref<128xi32, #tpu.memory_space<vmem>>
      %dma_wait3A_40 = arith.constant 0 : i32
      %dma_wait3A_41 = arith.constant 0 : i32
      %dma_wait3A_42 = tpu.memref_slice %arg2[%dma_wait3A_40, %dma_wait3A_41] : memref<10000x128xf32, #tpu.memory_space<hbm>> -> memref<10000x128xf32, #tpu.memory_space<hbm>>
      tpu.wait_indirect_dma semaphore(%arg7 : memref<!tpu.dma_semaphore, #tpu.memory_space<semaphore_mem>>) src(%dma_wait3A_42 : memref<10000x128xf32, #tpu.memory_space<hbm>>) dst(%dma_wait3A_37 : memref<128x128xf32, #tpu.memory_space<vmem>>)
      %dma_wait3A_43 = arith.constant 128 : i32
      %dma_wait3A_44 = arith.constant 0 : i32
      %dma_wait3A_45 = tpu.memref_slice %arg6[%dma_wait3A_43, %dma_wait3A_44] : memref<400x128xf32, #tpu.memory_space<vmem>> -> memref<128x128xf32, #tpu.memory_space<vmem>>
      %dma_wait3A_46 = arith.constant 128 : i32
      %dma_wait3A_47 = tpu.memref_slice %arg5[%dma_wait3A_46] : memref<400xi32, #tpu.memory_space<vmem>> -> memref<128xi32, #tpu.memory_space<vmem>>
      %dma_wait3A_48 = arith.constant 0 : i32
      %dma_wait3A_49 = arith.constant 0 : i32
      %dma_wait3A_50 = tpu.memref_slice %arg2[%dma_wait3A_48, %dma_wait3A_49] : memref<10000x128xf32, #tpu.memory_space<hbm>> -> memref<10000x128xf32, #tpu.memory_space<hbm>>
      tpu.wait_indirect_dma semaphore(%arg7 : memref<!tpu.dma_semaphore, #tpu.memory_space<semaphore_mem>>) src(%dma_wait3A_50 : memref<10000x128xf32, #tpu.memory_space<hbm>>) dst(%dma_wait3A_45 : memref<128x128xf32, #tpu.memory_space<vmem>>)
      %dma_wait3A_51 = arith.constant 256 : i32
      %dma_wait3A_52 = arith.constant 0 : i32
      %dma_wait3A_53 = tpu.memref_slice %arg6[%dma_wait3A_51, %dma_wait3A_52] : memref<400x128xf32, #tpu.memory_space<vmem>> -> memref<128x128xf32, #tpu.memory_space<vmem>>
      %dma_wait3A_54 = arith.constant 256 : i32
      %dma_wait3A_55 = tpu.memref_slice %arg5[%dma_wait3A_54] : memref<400xi32, #tpu.memory_space<vmem>> -> memref<128xi32, #tpu.memory_space<vmem>>
      %dma_wait3A_56 = arith.constant 0 : i32
      %dma_wait3A_57 = arith.constant 0 : i32
      %dma_wait3A_58 = tpu.memref_slice %arg2[%dma_wait3A_56, %dma_wait3A_57] : memref<10000x128xf32, #tpu.memory_space<hbm>> -> memref<10000x128xf32, #tpu.memory_space<hbm>>
      tpu.wait_indirect_dma semaphore(%arg7 : memref<!tpu.dma_semaphore, #tpu.memory_space<semaphore_mem>>) src(%dma_wait3A_58 : memref<10000x128xf32, #tpu.memory_space<hbm>>) dst(%dma_wait3A_53 : memref<128x128xf32, #tpu.memory_space<vmem>>)
      %dma_wait3A_59 = arith.constant 384 : i32
      %dma_wait3A_60 = arith.constant 0 : i32
      %dma_wait3A_61 = tpu.memref_slice %arg6[%dma_wait3A_59, %dma_wait3A_60] : memref<400x128xf32, #tpu.memory_space<vmem>> -> memref<16x128xf32, #tpu.memory_space<vmem>>
      %dma_wait3A_62 = arith.constant 384 : i32
      %dma_wait3A_63 = tpu.memref_slice %arg5[%dma_wait3A_62] : memref<400xi32, #tpu.memory_space<vmem>> -> memref<16xi32, #tpu.memory_space<vmem>>
      %dma_wait3A_64 = arith.constant 0 : i32
      %dma_wait3A_65 = arith.constant 0 : i32
      %dma_wait3A_66 = tpu.memref_slice %arg2[%dma_wait3A_64, %dma_wait3A_65] : memref<10000x128xf32, #tpu.memory_space<hbm>> -> memref<10000x128xf32, #tpu.memory_space<hbm>>
      tpu.wait_indirect_dma semaphore(%arg7 : memref<!tpu.dma_semaphore, #tpu.memory_space<semaphore_mem>>) src(%dma_wait3A_66 : memref<10000x128xf32, #tpu.memory_space<hbm>>) dst(%dma_wait3A_61 : memref<16x128xf32, #tpu.memory_space<vmem>>)
      "tpu.region"() ({
        %run_scoped3A = tpu.sem_alloc : memref<!tpu.dma_semaphore, #tpu.memory_space<semaphore_mem>>
        %dma_start3A_67 = arith.constant 0 : i32
        %dma_start3A_68 = tpu.memref_slice %arg4[%mul3A_4, %dma_start3A_67] : memref<10000x128xf32, #tpu.memory_space<hbm>> -> memref<400x128xf32, #tpu.memory_space<hbm>>
        %dma_start3A_69 = arith.constant 0 : i32
        %dma_start3A_70 = tpu.memref_slice %arg4[%mul3A_4, %dma_start3A_69] : memref<10000x128xf32, #tpu.memory_space<hbm>> -> memref<400x128xf32, #tpu.memory_space<hbm>>
        tpu.enqueue_dma source(%arg6 : memref<400x128xf32, #tpu.memory_space<vmem>>) target(%dma_start3A_70 : memref<400x128xf32, #tpu.memory_space<hbm>>) target_semaphore(%run_scoped3A : memref<!tpu.dma_semaphore, #tpu.memory_space<semaphore_mem>>)
        %dma_wait3A_71 = arith.constant 0 : i32
        %dma_wait3A_72 = tpu.memref_slice %arg4[%mul3A_4, %dma_wait3A_71] : memref<10000x128xf32, #tpu.memory_space<hbm>> -> memref<400x128xf32, #tpu.memory_space<hbm>>
        %dma_wait3A_73 = arith.constant 0 : i32
        %dma_wait3A_74 = tpu.memref_slice %arg4[%mul3A_4, %dma_wait3A_73] : memref<10000x128xf32, #tpu.memory_space<hbm>> -> memref<400x128xf32, #tpu.memory_space<hbm>>
        tpu.wait_dma2 semaphore(%run_scoped3A : memref<!tpu.dma_semaphore, #tpu.memory_space<semaphore_mem>>) src(%arg6 : memref<400x128xf32, #tpu.memory_space<vmem>>) dst(%dma_wait3A_74 : memref<400x128xf32, #tpu.memory_space<hbm>>)
        tpu.yield
      }) : () -> ()
    } else {
    }
    return
  }
}

module attributes {stable_mosaic.version = 14 : i64} {
  func.func @_main_body(%arg0: i32, %arg1: memref<1xf32, #tpu.memory_space<smem>>, %arg2: memref<400x10000xf32, #tpu.memory_space<vmem>>, %arg3: memref<10000x128xf32, #tpu.memory_space<vmem>>, %arg4: memref<10000x128xf32, #tpu.memory_space<vmem>>, %arg5: memref<400x128xbf16, #tpu.memory_space<vmem>>, %arg6: memref<400x128xbf16, #tpu.memory_space<vmem>>, %arg7: memref<1x1x128xf32, #tpu.memory_space<vmem>>) attributes {dimension_semantics = [#tpu.dimension_semantics<parallel>], iteration_bounds = array<i64: 25>, scalar_prefetch = 0 : i64, scratch_operands = 0 : i64, tpu.core_type = #tpu.core_type<tc>, window_params = [{transform_indices = @transform_0, window_bounds = array<i64: 1>}, {transform_indices = @transform_1, window_bounds = array<i64: 400, 10000>}, {pipeline_mode = #tpu.pipeline_mode<synchronous>, transform_indices = @transform_2, window_bounds = array<i64: 10000, 128>}, {pipeline_mode = #tpu.pipeline_mode<synchronous>, transform_indices = @transform_3, window_bounds = array<i64: 10000, 128>}, {transform_indices = @transform_4, window_bounds = array<i64: 400, 128>}, {transform_indices = @transform_5, window_bounds = array<i64: 400, 128>}, {transform_indices = @transform_6, window_bounds = array<i64: 1, 1, 128>}]} {
    %get3A = arith.constant 0 : index
    %get3A_0 = arith.constant 0 : index
    %get3A_1 = vector.load %arg2[%get3A, %get3A_0] : memref<400x10000xf32, #tpu.memory_space<vmem>>, vector<400x10000xf32>
    %get3A_2 = arith.constant 0 : index
    %get3A_3 = arith.constant 0 : index
    %get3A_4 = vector.load %arg3[%get3A_2, %get3A_3] : memref<10000x128xf32, #tpu.memory_space<vmem>>, vector<10000x128xf32>
    %dot_general3A = arith.constant dense<0.000000e+00> : vector<400x128xf32>
    %dot_general3A_5 = tpu.matmul %get3A_1, %get3A_4, %dot_general3A {dimension_numbers = #tpu.dot_dimension_numbers<[1], [0], [0], [1], [0, 0, 1, 1], [], []>, transpose_lhs_hint = false} : vector<400x10000xf32>, vector<10000x128xf32>, vector<400x128xf32> -> vector<400x128xf32>
    %get3A_6 = arith.constant 0 : index
    %get3A_7 = arith.constant 0 : index
    %get3A_8 = vector.load %arg4[%get3A_6, %get3A_7] : memref<10000x128xf32, #tpu.memory_space<vmem>>, vector<10000x128xf32>
    %dot_general3A_9 = arith.constant dense<0.000000e+00> : vector<400x128xf32>
    %dot_general3A_10 = tpu.matmul %get3A_1, %get3A_8, %dot_general3A_9 {dimension_numbers = #tpu.dot_dimension_numbers<[1], [0], [0], [1], [0, 0, 1, 1], [], []>, transpose_lhs_hint = false} : vector<400x10000xf32>, vector<10000x128xf32>, vector<400x128xf32> -> vector<400x128xf32>
    %get3A_11 = arith.constant 0 : index
    %get3A_12 = memref.load %arg1[%get3A_11] : memref<1xf32, #tpu.memory_space<smem>>
    %ge3A = arith.constant 0.000000e+00 : f32
    %ge3A_13 = vector.broadcast %ge3A : f32 to vector<400x128xf32>
    %ge3A_14 = arith.cmpf oge, %dot_general3A_5, %ge3A_13 : vector<400x128xf32>
    %mul3A = vector.broadcast %get3A_12 : f32 to vector<400x128xf32>
    %mul3A_15 = arith.mulf %mul3A, %dot_general3A_5 : vector<400x128xf32>
    %select_n3A = arith.select %ge3A_14, %dot_general3A_5, %mul3A_15 : vector<400x128xi1>, vector<400x128xf32>
    %ge3A_16 = arith.constant 0.000000e+00 : f32
    %ge3A_17 = vector.broadcast %ge3A_16 : f32 to vector<400x128xf32>
    %ge3A_18 = arith.cmpf oge, %dot_general3A_10, %ge3A_17 : vector<400x128xf32>
    %mul3A_19 = vector.broadcast %get3A_12 : f32 to vector<400x128xf32>
    %mul3A_20 = arith.mulf %mul3A_19, %dot_general3A_10 : vector<400x128xf32>
    %select_n3A_21 = arith.select %ge3A_18, %dot_general3A_10, %mul3A_20 : vector<400x128xi1>, vector<400x128xf32>
    %convert_element_type3A = arith.truncf %select_n3A : vector<400x128xf32> to vector<400x128xbf16>
    %swap3A = arith.constant 0 : index
    %swap3A_22 = arith.constant 0 : index
    %swap3A_23 = vector.load %arg5[%swap3A, %swap3A_22] : memref<400x128xbf16, #tpu.memory_space<vmem>>, vector<400x128xbf16>
    tpu.vector_store %arg5[%swap3A, %swap3A_22], %convert_element_type3A {strides = array<i32>} : memref<400x128xbf16, #tpu.memory_space<vmem>>, vector<400x128xbf16>,
    %convert_element_type3A_24 = arith.truncf %select_n3A_21 : vector<400x128xf32> to vector<400x128xbf16>
    %swap3A_25 = arith.constant 0 : index
    %swap3A_26 = arith.constant 0 : index
    %swap3A_27 = vector.load %arg6[%swap3A_25, %swap3A_26] : memref<400x128xbf16, #tpu.memory_space<vmem>>, vector<400x128xbf16>
    tpu.vector_store %arg6[%swap3A_25, %swap3A_26], %convert_element_type3A_24 {strides = array<i32>} : memref<400x128xbf16, #tpu.memory_space<vmem>>, vector<400x128xbf16>,
    %reduce_sum3A = arith.constant dense<0.000000e+00> : vector<128xf32>
    %reduce_sum3A_28 = vector.multi_reduction <add>, %select_n3A, %reduce_sum3A [0] : vector<400x128xf32> to vector<128xf32>
    %broadcast_in_dim3A = vector.shape_cast %reduce_sum3A_28 : vector<128xf32> to vector<1x1x128xf32>
    %swap3A_29 = arith.constant 0 : index
    %swap3A_30 = arith.constant 0 : index
    %swap3A_31 = arith.constant 0 : index
    %swap3A_32 = vector.load %arg7[%swap3A_29, %swap3A_30, %swap3A_31] : memref<1x1x128xf32, #tpu.memory_space<vmem>>, vector<1x1x128xf32>
    tpu.vector_store %arg7[%swap3A_29, %swap3A_30, %swap3A_31], %broadcast_in_dim3A {strides = array<i32>} : memref<1x1x128xf32, #tpu.memory_space<vmem>>, vector<1x1x128xf32>,
    return
  }
  func.func @transform_0(%arg0: i32) -> i32 {
    %c0_i32 = arith.constant 0 : i32
    %c0_i32_0 = arith.constant 0 : i32
    return %c0_i32 : i32
  }
  func.func @transform_1(%arg0: i32) -> (i32, i32) {
    %c0_i32 = arith.constant 0 : i32
    %c0_i32_0 = arith.constant 0 : i32
    return %arg0, %c0_i32 : i32, i32
  }
  func.func @transform_2(%arg0: i32) -> (i32, i32) {
    %c0_i32 = arith.constant 0 : i32
    %c0_i32_0 = arith.constant 0 : i32
    %c0_i32_1 = arith.constant 0 : i32
    return %c0_i32, %c0_i32_0 : i32, i32
  }
  func.func @transform_3(%arg0: i32) -> (i32, i32) {
    %c0_i32 = arith.constant 0 : i32
    %c0_i32_0 = arith.constant 0 : i32
    %c0_i32_1 = arith.constant 0 : i32
    return %c0_i32, %c0_i32_0 : i32, i32
  }
  func.func @transform_4(%arg0: i32) -> (i32, i32) {
    %c0_i32 = arith.constant 0 : i32
    %c0_i32_0 = arith.constant 0 : i32
    return %arg0, %c0_i32 : i32, i32
  }
  func.func @transform_5(%arg0: i32) -> (i32, i32) {
    %c0_i32 = arith.constant 0 : i32
    %c0_i32_0 = arith.constant 0 : i32
    return %arg0, %c0_i32 : i32, i32
  }
  func.func @transform_6(%arg0: i32) -> (i32, i32, i32) {
    %c0_i32 = arith.constant 0 : i32
    %c0_i32_0 = arith.constant 0 : i32
    %c0_i32_1 = arith.constant 0 : i32
    return %arg0, %c0_i32, %c0_i32_0 : i32, i32, i32
  }
}

module attributes {stable_mosaic.version = 14 : i64} {
  func.func @_xw_body(%arg0: i32, %arg1: memref<2000x128xf32, #tpu.memory_space<vmem>>, %arg2: memref<128x128xf32, #tpu.memory_space<vmem>>, %arg3: memref<2000x128xf32, #tpu.memory_space<vmem>>) attributes {dimension_semantics = [#tpu.dimension_semantics<arbitrary>], iteration_bounds = array<i64: 5>, scalar_prefetch = 0 : i64, scratch_operands = 0 : i64, tpu.core_type = #tpu.core_type<tc>, window_params = [{transform_indices = @transform_0, window_bounds = array<i64: 2000, 128>}, {pipeline_mode = #tpu.pipeline_mode<synchronous>, transform_indices = @transform_1, window_bounds = array<i64: 128, 128>}, {transform_indices = @transform_2, window_bounds = array<i64: 2000, 128>}]} {
    %get3A = arith.constant 0 : index
    %get3A_0 = arith.constant 0 : index
    %get3A_1 = vector.load %arg1[%get3A, %get3A_0] : memref<2000x128xf32, #tpu.memory_space<vmem>>, vector<2000x128xf32>
    %get3A_2 = arith.constant 0 : index
    %get3A_3 = arith.constant 0 : index
    %get3A_4 = vector.load %arg2[%get3A_2, %get3A_3] : memref<128x128xf32, #tpu.memory_space<vmem>>, vector<128x128xf32>
    %dot_general3A = arith.constant dense<0.000000e+00> : vector<2000x128xf32>
    %dot_general3A_5 = tpu.matmul %get3A_1, %get3A_4, %dot_general3A {dimension_numbers = #tpu.dot_dimension_numbers<[1], [0], [0], [1], [0, 0, 1, 1], [], []>, transpose_lhs_hint = false} : vector<2000x128xf32>, vector<128x128xf32>, vector<2000x128xf32> -> vector<2000x128xf32>
    %swap3A = arith.constant 0 : index
    %swap3A_6 = arith.constant 0 : index
    %swap3A_7 = vector.load %arg3[%swap3A, %swap3A_6] : memref<2000x128xf32, #tpu.memory_space<vmem>>, vector<2000x128xf32>
    tpu.vector_store %arg3[%swap3A, %swap3A_6], %dot_general3A_5 {strides = array<i32>} : memref<2000x128xf32, #tpu.memory_space<vmem>>, vector<2000x128xf32>,
    return
  }
  func.func @transform_0(%arg0: i32) -> (i32, i32) {
    %c0_i32 = arith.constant 0 : i32
    %c0_i32_0 = arith.constant 0 : i32
    return %arg0, %c0_i32 : i32, i32
  }
  func.func @transform_1(%arg0: i32) -> (i32, i32) {
    %c0_i32 = arith.constant 0 : i32
    %c0_i32_0 = arith.constant 0 : i32
    %c0_i32_1 = arith.constant 0 : i32
    return %c0_i32, %c0_i32_0 : i32, i32
  }
  func.func @transform_2(%arg0: i32) -> (i32, i32) {
    %c0_i32 = arith.constant 0 : i32
    %c0_i32_0 = arith.constant 0 : i32
    return %arg0, %c0_i32 : i32, i32
  }
}

module attributes {stable_mosaic.version = 14 : i64} {
  func.func @_readout_body(%arg0: i32, %arg1: memref<10000x128xbf16, #tpu.memory_space<vmem>>, %arg2: memref<10000x128xbf16, #tpu.memory_space<vmem>>, %arg3: memref<25x1x128xf32, #tpu.memory_space<vmem>>, %arg4: memref<128x128xf32, #tpu.memory_space<vmem>>, %arg5: memref<1x20000xf32, #tpu.memory_space<vmem>>, %arg6: memref<1x20000xf32, #tpu.memory_space<vmem>>) attributes {dimension_semantics = [#tpu.dimension_semantics<arbitrary>], iteration_bounds = array<i64: 1>, scalar_prefetch = 0 : i64, scratch_operands = 0 : i64, tpu.core_type = #tpu.core_type<tc>, window_params = [{pipeline_mode = #tpu.pipeline_mode<synchronous>, transform_indices = @transform_0, window_bounds = array<i64: 10000, 128>}, {pipeline_mode = #tpu.pipeline_mode<synchronous>, transform_indices = @transform_1, window_bounds = array<i64: 10000, 128>}, {pipeline_mode = #tpu.pipeline_mode<synchronous>, transform_indices = @transform_2, window_bounds = array<i64: 25, 1, 128>}, {pipeline_mode = #tpu.pipeline_mode<synchronous>, transform_indices = @transform_3, window_bounds = array<i64: 128, 128>}, {pipeline_mode = #tpu.pipeline_mode<synchronous>, transform_indices = @transform_4, window_bounds = array<i64: 1, 20000>}, {pipeline_mode = #tpu.pipeline_mode<synchronous>, transform_indices = @transform_5, window_bounds = array<i64: 1, 20000>}]} {
    %iota3A = tpu.iota {dimensions = array<i32: 1>} : vector<1x20000xi32>
    %lt3A = arith.constant 10000 : i32
    %lt3A_0 = vector.broadcast %lt3A : i32 to vector<1x20000xi32>
    %lt3A_1 = arith.cmpi slt, %iota3A, %lt3A_0 : vector<1x20000xi32>
    %jit3A = arith.constant 1.000000e+00 : f32
    %jit3A_2 = arith.constant 0.000000e+00 : f32
    %broadcast_in_dim3A = vector.broadcast %jit3A : f32 to vector<1x20000xf32>
    %broadcast_in_dim3A_3 = vector.broadcast %jit3A_2 : f32 to vector<1x20000xf32>
    %select_n3A = arith.select %lt3A_1, %broadcast_in_dim3A, %broadcast_in_dim3A_3 : vector<1x20000xi1>, vector<1x20000xf32>
    %swap3A = arith.constant 0 : index
    %swap3A_4 = arith.constant 0 : index
    %swap3A_5 = vector.load %arg6[%swap3A, %swap3A_4] : memref<1x20000xf32, #tpu.memory_space<vmem>>, vector<1x20000xf32>
    tpu.vector_store %arg6[%swap3A, %swap3A_4], %select_n3A {strides = array<i32>} : memref<1x20000xf32, #tpu.memory_space<vmem>>, vector<1x20000xf32>,
    %get3A = arith.constant 0 : index
    %get3A_6 = arith.constant 0 : index
    %get3A_7 = arith.constant 0 : index
    %get3A_8 = vector.load %arg3[%get3A, %get3A_6, %get3A_7] : memref<25x1x128xf32, #tpu.memory_space<vmem>>, vector<25x1x128xf32>
    %reduce_sum3A = arith.constant dense<0.000000e+00> : vector<128xf32>
    %reduce_sum3A_9 = vector.multi_reduction <add>, %get3A_8, %reduce_sum3A [0, 1] : vector<25x1x128xf32> to vector<128xf32>
    %broadcast_in_dim3A_10 = vector.shape_cast %reduce_sum3A_9 : vector<128xf32> to vector<1x128xf32>
    %mul3A = arith.constant 9.99999974E-5 : f32
    %mul3A_11 = vector.broadcast %mul3A : f32 to vector<1x128xf32>
    %mul3A_12 = arith.mulf %broadcast_in_dim3A_10, %mul3A_11 : vector<1x128xf32>
    %logistic3A = arith.negf %mul3A_12 : vector<1x128xf32>
    %logistic3A_13 = math.exp %logistic3A : vector<1x128xf32>
    %logistic3A_14 = arith.constant 1.000000e+00 : f32
    %logistic3A_15 = vector.broadcast %logistic3A_14 : f32 to vector<1x128xf32>
    %logistic3A_16 = arith.addf %logistic3A_15, %logistic3A_13 : vector<1x128xf32>
    %logistic3A_17 = arith.divf %logistic3A_15, %logistic3A_16 : vector<1x128xf32>
    %get3A_18 = arith.constant 0 : index
    %get3A_19 = arith.constant 0 : index
    %get3A_20 = vector.load %arg4[%get3A_18, %get3A_19] : memref<128x128xf32, #tpu.memory_space<vmem>>, vector<128x128xf32>
    %mul3A_21 = vector.broadcast %logistic3A_17 : vector<1x128xf32> to vector<128x128xf32>
    %mul3A_22 = arith.mulf %get3A_20, %mul3A_21 : vector<128x128xf32>
    %reduce_sum3A_23 = arith.constant dense<0.000000e+00> : vector<128xf32>
    %reduce_sum3A_24 = vector.multi_reduction <add>, %mul3A_22, %reduce_sum3A_23 [1] : vector<128x128xf32> to vector<128xf32>
    %broadcast_in_dim3A_25 = vector.shape_cast %reduce_sum3A_24 : vector<128xf32> to vector<1x128xf32>
    %convert_element_type3A = arith.truncf %broadcast_in_dim3A_25 : vector<1x128xf32> to vector<1x128xbf16>
    %get3A_26 = arith.constant 0 : index
    %get3A_27 = arith.constant 0 : index
    %get3A_28 = vector.load %arg1[%get3A_26, %get3A_27] : memref<10000x128xbf16, #tpu.memory_space<vmem>>, vector<10000x128xbf16>
    %dot_general3A = arith.constant dense<0.000000e+00> : vector<1x10000xf32>
    %dot_general3A_29 = tpu.matmul %convert_element_type3A, %get3A_28, %dot_general3A {dimension_numbers = #tpu.dot_dimension_numbers<[1], [1], [0], [0], [0, 0, 1, 0], [], []>, transpose_lhs_hint = false} : vector<1x128xbf16>, vector<10000x128xbf16>, vector<1x10000xf32> -> vector<1x10000xf32>
    %swap3A_30 = arith.constant 0 : index
    %swap3A_31 = arith.constant 0 : index
    %swap3A_32 = vector.load %arg5[%swap3A_30, %swap3A_31] : memref<1x20000xf32, #tpu.memory_space<vmem>>, vector<1x10000xf32>
    tpu.vector_store %arg5[%swap3A_30, %swap3A_31], %dot_general3A_29 {strides = array<i32>} : memref<1x20000xf32, #tpu.memory_space<vmem>>, vector<1x10000xf32>,
    %get3A_33 = arith.constant 0 : index
    %get3A_34 = arith.constant 0 : index
    %get3A_35 = vector.load %arg2[%get3A_33, %get3A_34] : memref<10000x128xbf16, #tpu.memory_space<vmem>>, vector<10000x128xbf16>
    %dot_general3A_36 = arith.constant dense<0.000000e+00> : vector<1x10000xf32>
    %dot_general3A_37 = tpu.matmul %convert_element_type3A, %get3A_35, %dot_general3A_36 {dimension_numbers = #tpu.dot_dimension_numbers<[1], [1], [0], [0], [0, 0, 1, 0], [], []>, transpose_lhs_hint = false} : vector<1x128xbf16>, vector<10000x128xbf16>, vector<1x10000xf32> -> vector<1x10000xf32>
    %swap3A_38 = arith.constant 0 : index
    %swap3A_39 = arith.constant 10000 : index
    %swap3A_40 = vector.load %arg5[%swap3A_38, %swap3A_39] : memref<1x20000xf32, #tpu.memory_space<vmem>>, vector<1x10000xf32>
    tpu.vector_store %arg5[%swap3A_38, %swap3A_39], %dot_general3A_37 {strides = array<i32>} : memref<1x20000xf32, #tpu.memory_space<vmem>>, vector<1x10000xf32>,
    return
  }
  func.func @transform_0(%arg0: i32) -> (i32, i32) {
    %c0_i32 = arith.constant 0 : i32
    %c0_i32_0 = arith.constant 0 : i32
    %c0_i32_1 = arith.constant 0 : i32
    return %c0_i32, %c0_i32_0 : i32, i32
  }
  func.func @transform_1(%arg0: i32) -> (i32, i32) {
    %c0_i32 = arith.constant 0 : i32
    %c0_i32_0 = arith.constant 0 : i32
    %c0_i32_1 = arith.constant 0 : i32
    return %c0_i32, %c0_i32_0 : i32, i32
  }
  func.func @transform_2(%arg0: i32) -> (i32, i32, i32) {
    %c0_i32 = arith.constant 0 : i32
    %c0_i32_0 = arith.constant 0 : i32
    %c0_i32_1 = arith.constant 0 : i32
    %c0_i32_2 = arith.constant 0 : i32
    return %c0_i32, %c0_i32_0, %c0_i32_1 : i32, i32, i32
  }
  func.func @transform_3(%arg0: i32) -> (i32, i32) {
    %c0_i32 = arith.constant 0 : i32
    %c0_i32_0 = arith.constant 0 : i32
    %c0_i32_1 = arith.constant 0 : i32
    return %c0_i32, %c0_i32_0 : i32, i32
  }
  func.func @transform_4(%arg0: i32) -> (i32, i32) {
    %c0_i32 = arith.constant 0 : i32
    %c0_i32_0 = arith.constant 0 : i32
    %c0_i32_1 = arith.constant 0 : i32
    return %c0_i32, %c0_i32_0 : i32, i32
  }
  func.func @transform_5(%arg0: i32) -> (i32, i32) {
    %c0_i32 = arith.constant 0 : i32
    %c0_i32_0 = arith.constant 0 : i32
    %c0_i32_1 = arith.constant 0 : i32
    return %c0_i32, %c0_i32_0 : i32, i32
  }
}

</mosaic_0001>

<sc_bundles>
// kernel: kernel.6.cloned.1.call-start
scs
__scs_entry_jumppad:
0x0: {  	(pc) =	sbr.rel $0x88, $3  }
0x1: {  	(tag) =	ssettag $0x0;
	lr =	simm.s32 $0x1  }
0x2: {  	[smem:$0x3F9B] =	sst lr;
	_ =	strace $0xD0000000  }
0x3: {  	_ = 	snop  }
0x4: {  	_ = 	snop  }
0x5: {  	_ = 	snop  }
0x6: {  	_ = 	snop  }
0x7: {  	_ = 	snop  }
__scs_overlays_trampoline_lowered:
0x8: {  	[smem:$0x3FAA] =	sst s0  }
0x9: {  	[smem:$0x3FAB] =	sst s1  }
0xa: {  	[smem:$0x3FAC] =	sst s2  }
0xb: {  	[smem:$0x3FAD] =	sst s3  }
0xc: {  	[smem:$0x3FAE] =	sst s4  }
0xd: {  	[smem:$0x3FAF] =	sst s5  }
0xe: {  	[smem:$0x3FB0] =	sst s6  }
0xf: {  	[smem:$0x3FB1] =	sst s7  }
0x10: {  	[smem:$0x3FB2] =	sst s8  }
0x11: {  	[smem:$0x3FB3] =	sst s9;
	s0 =	simm.s32 @!p0 $0x0  }
0x12: {  	s1 =	sld [smem:$0x3F99];
	s0 =	simm.s32 @p0 $0x1  }
0x13: {  	[smem:$0x3FB4] =	sst s0;
	s0 =	simm.s32 @!p1 $0x0  }
0x14: {  	s2 =	sld [smem:$0x3F98];
	s0 =	simm.s32 @p1 $0x1  }
0x15: {  	[smem:$0x3FB5] =	sst s0;
	s0 =	simm.s32 @!p2 $0x0  }
0x16: {  	s3 =	sld [smem:$0x3FDB];
	s0 =	simm.s32 @p2 $0x1  }
0x17: {  	s4 =	simm.s32 $0x1BF5;
	[smem:$0x3FB7] =	sst s0  }
0x18: {  	s0 =	sld [smem:$0x3F9A];
	_ =	swait.ge [sflag:s4], $0x0  }
0x19: {  	s7 =	sld [smem:$0x3F9B]  }
0x1a: {  	s8 =	sadd.s32 $0xFFFFE003, lr  }
0x1b: {  	s9 =	sadd.s32 $0xFFFFFEF7, lr;
	s5 =	simm.s32 $0xFFFFFFFF;
	p2 =	slt.u32 s8, $0xFFFFF086  }
0x1c: {  	p1 =	slt.u32 s9, $0xF7A;
	s5 =	simm.s32 @!p2 $0x0  }
0x1d: {  	s5 =	simm.s32 @p1 $0x1;
	p0 =	seq.s32 s7, s2  }
0x1e: {  	s7 =	smul.u32 @!p0 $0xF7A, s2;
	p2 =	seq.s32 @!p0 s5, $0x0  }
0x1f: {  	s9 =	smul.u32 $0xF7A, s1;
	s8 =	simm.s32 @!p0 $0x1BF5;
	p2 =	por !p2, p0  }
0x20: {  	[sflag:s8] =	ssyncset.s32 @!p0 $0xFFFFF086;
	s6 =	sadd.s32 @!p0 s3, s7;
	s7 =	simm.s32 @!p0 $0x108  }
0x21: {  	s3 =	sadd.s32 s3, s9;
	s6 =	sadd.s32 @!p0 $0x88, s6;
	s7 =	simm.s32 @p2 $0x1082  }
0x22: {  	[simem:s7], [sflag:s8] =	dma.local @!p0 [hbm:s6], $0xF7A  }
0x23: {  	s9 =	sor.u32 $0xD0000000, s2;
	s6 =	simm.s32 $0x108;
	_ =	swait.ge @!p0 [sflag:s8], $0x0  }
0x24: {  	s3 =	sadd.s32 $0x88, s3;
	s6 =	simm.s32 @!p1 $0x1082;
	[sflag:s4] =	ssyncset.s32 $0xFFFFF086  }
0x25: {  	[simem:s6], [sflag:s4] =	dma.local [hbm:s3], $0xF7A  }
0x26: {  	[smem:$0x3F9B] =	sst s1;
	(tag) =	ssettag s2;
	_ =	strace s9  }
0x27: {  	s1 =	sld [smem:$0x3FAB]  }
0x28: {  	s2 =	sld [smem:$0x3FAC]  }
0x29: {  	s4 =	sld [smem:$0x3FAE]  }
0x2a: {  	p0 =	seq.s32 s5, $0x0;
	s5 =	sld [smem:$0x3FAF]  }
0x2b: {  	s6 =	sld [smem:$0x3FB0]  }
0x2c: {  	s7 =	sld [smem:$0x3FB1]  }
0x2d: {  	s3 =	simm.s32 $0x108;
	s8 =	sld [smem:$0x3FB2]  }
0x2e: {  	s3 =	simm.s32 @!p0 $0x1082;
	s9 =	sld [smem:$0x3FB3]  }
0x2f: {  	lr =	sadd.s32 s0, s3;
	s0 =	sld [smem:$0x3FAA]  }
0x30: {  	s3 =	sld [smem:$0x3FAD]  }
0x31: {  	[smem:$0x3FB6] =	sst s10  }
0x32: {  	s10 =	sld [smem:$0x3FB4];
	_ =	sdelay $0x3  }
0x33: {  	p0 =	seq.s32 s10, $0x1;
	s10 =	sld [smem:$0x3FB6];
	_ =	sdelay $0x3  }
0x34: {  	[smem:$0x3FB6] =	sst s10  }
0x35: {  	s10 =	sld [smem:$0x3FB5];
	_ =	sdelay $0x3  }
0x36: {  	p1 =	seq.s32 s10, $0x1;
	s10 =	sld [smem:$0x3FB6];
	_ =	sdelay $0x3  }
0x37: {  	[smem:$0x3FB6] =	sst s10  }
0x38: {  	s10 =	sld [smem:$0x3FB7]  }
0x39: {  	_ = 	snop;
	(pc) =	sbr.ind lr, $3  }
0x3a: {  	_ = 	snop  }
0x3b: {  	_ = 	snop  }
0x3c: {  	p2 =	seq.s32 s10, $0x1;
	s10 =	sld [smem:$0x3FB6]  }
0x3d: {  	_ =	shalt  }
0x3e: {  	_ =	shalt  }
0x3f: {  	_ =	shalt  }
0x40: {  	_ =	shalt  }
0x41: {  	_ =	shalt  }
0x42: {  	_ =	shalt  }
0x43: {  	_ =	shalt  }
0x44: {  	_ =	shalt  }
0x45: {  	_ =	shalt  }
0x46: {  	_ =	shalt  }
0x47: {  	_ =	shalt  }
0x48: {  	_ =	shalt  }
0x49: {  	_ =	shalt  }
0x4a: {  	_ =	shalt  }
0x4b: {  	_ =	shalt  }
0x4c: {  	_ =	shalt  }
0x4d: {  	_ =	shalt  }
0x4e: {  	_ =	shalt  }
0x4f: {  	_ =	shalt  }
0x50: {  	_ =	shalt  }
0x51: {  	_ =	shalt  }
0x52: {  	_ =	shalt  }
0x53: {  	_ =	shalt  }
0x54: {  	_ =	shalt  }
0x55: {  	_ =	shalt  }
0x56: {  	_ =	shalt  }
0x57: {  	_ =	shalt  }
0x58: {  	_ =	shalt  }
0x59: {  	_ =	shalt  }
0x5a: {  	_ =	shalt  }
0x5b: {  	_ =	shalt  }
0x5c: {  	_ =	shalt  }
0x5d: {  	_ =	shalt  }
0x5e: {  	_ =	shalt  }
0x5f: {  	_ =	shalt  }
0x60: {  	_ =	shalt  }
0x61: {  	_ =	shalt  }
0x62: {  	_ =	shalt  }
0x63: {  	_ =	shalt  }
0x64: {  	_ =	shalt  }
0x65: {  	_ =	shalt  }
0x66: {  	_ =	shalt  }
0x67: {  	_ =	shalt  }
0x68: {  	_ =	shalt  }
0x69: {  	_ =	shalt  }
0x6a: {  	_ =	shalt  }
0x6b: {  	_ =	shalt  }
0x6c: {  	_ =	shalt  }
0x6d: {  	_ =	shalt  }
0x6e: {  	_ =	shalt  }
0x6f: {  	_ =	shalt  }
0x70: {  	_ =	shalt  }
0x71: {  	_ =	shalt  }
0x72: {  	_ =	shalt  }
0x73: {  	_ =	shalt  }
0x74: {  	_ =	shalt  }
0x75: {  	_ =	shalt  }
0x76: {  	_ =	shalt  }
0x77: {  	_ =	shalt  }
0x78: {  	_ =	shalt  }
0x79: {  	_ =	shalt  }
0x7a: {  	_ =	shalt  }
0x7b: {  	_ =	shalt  }
0x7c: {  	_ =	shalt  }
0x7d: {  	_ =	shalt  }
0x7e: {  	_ =	shalt  }
0x7f: {  	_ =	shalt  }
0x80: {  	_ =	shalt  }
0x81: {  	_ =	shalt  }
0x82: {  	_ =	shalt  }
0x83: {  	_ =	shalt  }
0x84: {  	_ =	shalt  }
0x85: {  	_ =	shalt  }
0x86: {  	_ =	shalt  }
0x87: {  	_ =	shalt  }
.Lfunc_end0:
.L_simem_size_0:
called_computation_lowered:
.L_overlay_start_0:
0x88: {  	s2 =	sld [smem:$0x3FD9]  }
0x89: {  	s3 =	sld [smem:$0x3FFE];
	_ =	sdelay $0x1  }
0x8a: {  	s1 =	srdreg.scid  }
0x8b: {  	s0 =	sand.u32 $0x1, s1  }
0x8c: {  	s17 =	sshll.u32 s0, $0xA;
	s2 =	sadd.s32 s3, s2  }
0x8d: {  	s2 =	sadd.s32 s2, s17  }
0x8e: {  	[smem:$0x3FC2] =	sst s2  }
0x8f: {  	_ = 	snop  }
0x90: {  	s2 =	sld [smem:$0x3FC4];
	(tm) =	ssettm $0x1  }
0x91: {  	s18 =	sld [smem:$0x3FFB];
	_ =	sdelay $0x3  }
0x92: {  	_ =	strace s18  }
0x93: {  	s3 =	sld [smem:$0x3FFC];
	_ =	sdelay $0x3  }
0x94: {  	_ =	strace s3  }
0x95: {  	s3 =	sld [smem:$0x3FFD];
	_ =	sdelay $0x3  }
0x96: {  	_ =	strace s3  }
0x97: {  	_ =	strace $0x8FFFFFFF  }
0x98: {  	s19 =	sld [smem:$0x3FDB];
	_ =	sdelay $0x1  }
0x99: {  	s4 =	simm.s32 $_scs_section_size  }
0x9a: {  	s5 =	simm.s32 $_size__tile_overlayer_lowered;
	s6 =	simm.s32 $_tile_overlayer_lowered  }
0x9b: {  	s22 =	simm.s32 $0x1BFF;
	s21 =	sshll.u32 s6, $0x1;
	s3 =	sadd.s32 s4, s19  }
0x9c: {  	s7 =	simm.s32 $0x0;
	s20 =	sshll.u32 s5, $0x1;
	s5 =	sadd.s32 s21, s3  }
0x9d: {  	[timem:s7], [sflag:s22] =	dma.local [hbm:s5], s20  }
0x9e: {  	_ =	swait.ge [sflag:s22], s20  }
0x9f: {  	s4 =	ssub.s32 $0x0, s20;
	[sflag:s22] =	ssyncset.done $0x0  }
0xa0: {  	[sflag:s22] =	ssyncadd.s32 s4;
	_ =	sdelay $0x1  }
0xa1: {  	s23 =	simm.s32 $0x1B8B  }
0xa2: {  	_ =	swait.ge [sflag:s23], $0x1  }
0xa3: {  	[sflag:s23] =	ssyncset.done $0x0  }
0xa4: {  	s25 =	simm.s32 $0x1B8E;
	s24 =	sld [smem:$0x3FFE];
	[sflag:s23] =	ssyncadd.s32 $0xFFFFFFFF  }
0xa5: {  	s26 =	simm.s32 $execute0_lowered;
	[smem:$0x3FD2] =	sst s25  }
0xa6: {  	s5 =	sshll.u32 s26, $0x1;
	_ =	strace $0x80000046;
	[dreg:$0x1] =	wrdreg $0xFFFFFFFF  }
0xa7: {  	s28 =	simm.s32 $_size_execute0_lowered;
	s3 =	sadd.s32 s3, s5;
	[dreg:$0x0] =	wrdreg $0x0  }
0xa8: {  	s5 =	sshll.u32 s28, $0x1;
	[dreg:$0x2] =	wrdreg s3  }
0xa9: {  	[dreg:$0x3] =	wrdreg s5  }
0xaa: {  	[dreg:$0x4] =	wrdreg $0xC0  }
0xab: {  	_ =	task [dreg:s7], $0x5FFFF  }
0xac: {  	[dreg:$0x1] =	wrdreg $0xFFFFFFFF  }
0xad: {  	[dreg:$0x0] =	wrdreg $0x60  }
0xae: {  	[dreg:$0x2] =	wrdreg s24  }
0xaf: {  	[dreg:$0x3] =	wrdreg s2  }
0xb0: {  	[dreg:$0x4] =	wrdreg $0x9  }
0xb1: {  	_ =	task.clear_ibuf [dreg:s7], $0x5FFFF;
	_ =	strace $0x90000046  }
0xb2: {  	s29 =	simm.s32 $0x9;
	_ =	strace $0x80000048  }
0xb3: {  	_ =	swait.ge [sflag:s29], $0x1  }
0xb4: {  	[sflag:s29] =	ssyncadd.s32 $0xFFFFFFFF  }
0xb5: {  	_ =	strace $0x90000048  }
0xb6: {  	_ =	sfence  }
0xb7: {  	s30 =	sld [smem:$0x0];
	_ =	sdelay $0x2  }
0xb8: {  	s31 =	sshll.u32 s1, $0xD;
	s1 =	sshrl.u32 s1, $0x2  }
0xb9: {  	s3 =	sand.u32 $0x4000, s31;
	s1 =	sadd.s32 s1, s30  }
0xba: {  	s0 =	sor.u32 s3, s0;
	s1 =	sshll.u32 s1, $0x11  }
0xbb: {  	s0 =	sor.u32 s1, s0  }
0xbc: {  	s0 =	sadd.s32 $0x8F2B, s0  }
0xbd: {  	[sflag:s0] =	ssyncadd.remote.s32 $0x1  }
0xbe: {  	_ =	sfence.sel $0xFFFF  }
0xbf: {  	[dreg:$0x0] =	wrdreg $0xFFFFFFFF;
	(pc) =	sbr.abs _section_cstart, $3  }
0xc0: {  	[dreg:$0x1] =	wrdreg $0xFFFFFFFF  }
0xc1: {  	_ =	task.clear_ibuf [dreg:s7], $0x2FFFF;
	_ =	strace $0x9FFFFFFF  }
0xc2: {  	(tm) =	ssettm $0x7FFFFFFF  }
0xc3: {  	_ =	shalt  }
tec
execute0_lowered:
.L_overlay_start_1:
0x0: {  	(tag) =	ssettag $0x1  }
0x1: {  	s1 =	srdreg.scid;
	s0 =	stileid.u32  }
0x2: {  	s16 =	sand.u32 $0x1, s1;
	s4 =	sshll.u32 s0, $0x1  }
0x3: {  	s17 =	sor.u32 s16, s4  }
0x4: {  	p0 =	sgt.u32 s17, $0x18  }
.Ltmp0:
0x5: {  	_ = 	snop;
	(pc) =	sbr.rel @p0 .LBB2_4-.Ltmp0, $4  }
0x6: {  	s15 =	rddreg [dreg:$0x0]  }
0x7: {  	s3 =	rddreg [dreg:$0x1];
	s2 =	simm.s32 $0x0  }
0x8: {  	[smem:$0x7FF] =	sst s2  }
0x9: {  	s1 =	rddreg [dreg:$0x2];
	_ =	strace $0x80000047  }
0xa: {  	s4 =	smul.u32 $0x32, s17;
	_ =	sdelay $0x1  }
0xb: {  	s4 =	sadd.s32 s3, s4;
	s3 =	simm.s32 $0x2  }
0xc: {  	[tilespmem:s2], [sflag:$0x2] =	stream.linear.gather [hbm4b:s4+s2], $0x190, $0x38;
	[tilespmem:$0xCA00] =	vst v63  }
0xd: {  	_ =	swait.ge [sflag:s3], $0x190  }
0xe: {  	s5 =	sadd.s32 $0xA00, s15;
	[sflag:s3] =	ssyncset.done $0x0  }
0xf: {  	s6 =	simm.s32 $0x80;
	s7 =	simm.s32 $0x200;
	[sflag:s3] =	ssyncadd.s32 $0xFFFFFE70  }
0x10: {  	[tilespmem:s7], [sflag:$0x1] =	stream.indirect.gather [hbm4b:s5+s6], $0x80, s2, s6, $0xb8;
	[tilespmem:$0xCA00] =	vst v63  }
0x11: {  	s8 =	simm.s32 $0x4200  }
0x12: {  	[tilespmem:s8], [sflag:$0x1] =	stream.indirect.gather [hbm4b:s5+s6], $0x80, s6, s6, $0xb8;
	[tilespmem:$0xCA00] =	vst v63  }
0x13: {  	s9 =	simm.s32 $0x100;
	s10 =	simm.s32 $0x8200;
	s11 =	simm.s32 $0x10  }
0x14: {  	[tilespmem:s10], [sflag:$0x1] =	stream.indirect.gather [hbm4b:s5+s6], $0x80, s9, s6, $0xb8;
	[tilespmem:$0xCA00] =	vst v63  }
0x15: {  	s12 =	simm.s32 $0x180;
	s13 =	simm.s32 $0xC200;
	s14 =	simm.s32 $0x1  }
0x16: {  	[tilespmem:s13], [sflag:$0x1] =	stream.indirect.gather [hbm4b:s5+s11], $0x80, s12, s11, $0xb8;
	[tilespmem:$0xCA00] =	vst v63  }
0x17: {  	_ =	swait.ge [sflag:s14], $0x4000  }
0x18: {  	[sflag:s14] =	ssyncset.done $0x0  }
0x19: {  	[sflag:s14] =	ssyncadd.s32 $0xFFFFC000  }
0x1a: {  	_ =	swait.ge [sflag:s14], $0x4000  }
0x1b: {  	[sflag:s14] =	ssyncset.done $0x0  }
0x1c: {  	s16 =	ssub.s32 $0x2, s16;
	[sflag:s14] =	ssyncadd.s32 $0xFFFFC000  }
0x1d: {  	s18 =	sshrl.u32 s16, $0x1;
	_ =	swait.ge [sflag:s14], $0x4000  }
0x1e: {  	s16 =	ssub.s32 s16, s18;
	[sflag:s14] =	ssyncset.done $0x0  }
0x1f: {  	s30 =	smul.u32 $0x1900, s17;
	s16 =	smax.u32 s16, $0x1;
	[sflag:s14] =	ssyncadd.s32 $0xFFFFC000  }
0x20: {  	p0 =	sne.s32 s16, $0x1;
	_ =	swait.ge [sflag:s14], $0x800  }
.Ltmp1:
0x21: {  	s31 =	sadd.s32 s30, s15;
	[sflag:s14] =	ssyncset.done $0x0;
	(pc) =	sbr.rel @!p0 .LBB2_3-.Ltmp1, $4  }
0x22: {  	s15 =	sadd.s32 $0x27C00, s31;
	[sflag:s14] =	ssyncadd.s32 $0xFFFFF800  }
0x23: {  	[hbm4b:s15+s2] =	stream.linear.scatter [tilespmem:s7], [sflag:$0x2], $0xC800, $0x38;
	[tilespmem:$0xCA00] =	vst v63  }
0x24: {  	_ =	swait.ge [sflag:s3], $0xC800  }
0x25: {  	s16 =	sadd.s32 $0xFFFFFFFF, s16;
	[sflag:s3] =	ssyncset.done $0x0  }
.LBB2_2:
0x26: {  	p0 =	sne.s32 s16, $0x1;
	s16 =	sadd.s32 $0xFFFFFFFF, s16;
	[sflag:s3] =	ssyncadd.s32 $0xFFFF3800  }
0x27: {  	[tilespmem:s2], [sflag:$0x2] =	stream.linear.gather [hbm4b:s4+s2], $0x190, $0x38;
	[tilespmem:$0xCA00] =	vst v63  }
0x28: {  	_ =	swait.ge [sflag:s3], $0x190  }
0x29: {  	[sflag:s3] =	ssyncset.done $0x0  }
0x2a: {  	[sflag:s3] =	ssyncadd.s32 $0xFFFFFE70  }
0x2b: {  	[tilespmem:s7], [sflag:$0x1] =	stream.indirect.gather [hbm4b:s5+s6], $0x80, s2, s6, $0xb8;
	[tilespmem:$0xCA00] =	vst v63  }
0x2c: {  	_ = 	snop  }
0x2d: {  	[tilespmem:s8], [sflag:$0x1] =	stream.indirect.gather [hbm4b:s5+s6], $0x80, s6, s6, $0xb8;
	[tilespmem:$0xCA00] =	vst v63  }
0x2e: {  	_ = 	snop  }
0x2f: {  	[tilespmem:s10], [sflag:$0x1] =	stream.indirect.gather [hbm4b:s5+s6], $0x80, s9, s6, $0xb8;
	[tilespmem:$0xCA00] =	vst v63  }
0x30: {  	_ = 	snop  }
0x31: {  	[tilespmem:s13], [sflag:$0x1] =	stream.indirect.gather [hbm4b:s5+s11], $0x80, s12, s11, $0xb8;
	[tilespmem:$0xCA00] =	vst v63  }
0x32: {  	_ =	swait.ge [sflag:s14], $0x4000  }
0x33: {  	[sflag:s14] =	ssyncset.done $0x0  }
0x34: {  	[sflag:s14] =	ssyncadd.s32 $0xFFFFC000  }
0x35: {  	_ =	swait.ge [sflag:s14], $0x4000  }
0x36: {  	[sflag:s14] =	ssyncset.done $0x0  }
0x37: {  	[sflag:s14] =	ssyncadd.s32 $0xFFFFC000  }
0x38: {  	_ =	swait.ge [sflag:s14], $0x4000  }
0x39: {  	[sflag:s14] =	ssyncset.done $0x0  }
0x3a: {  	[sflag:s14] =	ssyncadd.s32 $0xFFFFC000  }
0x3b: {  	_ =	swait.ge [sflag:s14], $0x800  }
.Ltmp2:
0x3c: {  	[sflag:s14] =	ssyncset.done $0x0;
	(pc) =	sbr.rel @p0 .LBB2_2-.Ltmp2, $4  }
0x3d: {  	[sflag:s14] =	ssyncadd.s32 $0xFFFFF800  }
0x3e: {  	[hbm4b:s15+s2] =	stream.linear.scatter [tilespmem:s7], [sflag:$0x2], $0xC800, $0x38;
	[tilespmem:$0xCA00] =	vst v63  }
0x3f: {  	_ =	swait.ge [sflag:s3], $0xC800  }
0x40: {  	[sflag:s3] =	ssyncset.done $0x0  }
.LBB2_3:
0x41: {  	[sflag:s3] =	ssyncadd.s32 $0xFFFF3800  }
.LBB2_4:
0x42: {  	_ =	sfence.sel $0x180000  }
0x43: {  	[bflag:$0x0] =	sbarrier.arrive $0xFFFF  }
0x44: {  	p0 =	sne.s32 s0, $0x0;
	_ =	strace $0x90000047  }
0x45: {  	s0 =	sadd.s32 @!p0 $0x100000, s1;
	[bflag:$0x2] =	sbarrier.arrive $0xFFFF  }
0x46: {  	[sflag:s0] =	ssyncadd.tile.s32 @!p0 $0x1;
	_ =	shalt  }
.Lfunc_end2:
_tile_overlayer_lowered:
.L_overlay_start_2:
0x47: {  	(tag) =	ssettag $0x2  }
0x48: {  	s0 =	rddreg [dreg:$0x0];
	s2 =	stileid.u32  }
0x49: {  	s1 =	rddreg [dreg:$0x1];
	p0 =	sne.s32 s2, $0x0  }
0x4a: {  	s3 =	rddreg [dreg:$0x2];
	[bflag:$0x3] =	sbarrier.arrive $0xFFFF;
	s2 =	simm.s32 @!p0 $0x1C02  }
0x4b: {  	[timem:s3], [sflag:s2] =	dma.local @!p0 [hbm:s0], s1  }
0x4c: {  	s0 =	simm.s32 @!p0 $0x2  }
0x4d: {  	_ =	swait.ge @!p0 [sflag:s0], s1  }
0x4e: {  	s1 =	ssub.s32 @!p0 $0x0, s1;
	[sflag:s0] =	ssyncset.done @!p0 $0x0  }
0x4f: {  	[sflag:s0] =	ssyncadd.s32 @!p0 s1  }
0x50: {  	[bflag:$0x3] =	sbarrier.arrive $0xFFFF  }
0x51: {  	_ =	shalt  }

</sc_bundles>
